<compile_context>
chip_gen: v7x
topology: tpu7x:2x2x1
jax: 0.10.2.dev20260603
libtpu: 0.0.44.dev20260713+nightly
codegen_flags: <defaults>
</compile_context>

<pallas_src>
import functools

import jax
import jax.numpy as jnp
from jax import lax
from jax.experimental import pallas as pl
from jax.experimental.pallas import tpu as pltpu
from jax.experimental.pallas import tpu_sc as plsc

N_NODES = 100000
NPAD = 100352
SLICE = NPAD // 16
N_EDGES = 6400000
NW = 32
E_PER_W = N_EDGES // NW
K = 8000
CHUNKS = E_PER_W // K
GROUPS = K // 16

_mesh = plsc.VectorSubcoreMesh(core_axis_name="c", subcore_axis_name="s")


@functools.partial(
    pl.kernel,
    mesh=_mesh,
    out_type=jax.ShapeDtypeStruct((2, NPAD), jnp.float32),
    scratch_types=[
        pltpu.VMEM((NPAD,), jnp.float32),
        pltpu.VMEM((K,), jnp.int32),
        pltpu.VMEM((K,), jnp.int32),
        pltpu.VMEM((K,), jnp.float32),
        pltpu.VMEM_SHARED((NPAD,), jnp.float32),
    ],
    compiler_params=pltpu.CompilerParams(
        use_tc_tiling_on_sc=False, needs_layout_passes=False
    ),
)
def _spmv(x_hbm, col_hbm, row_hbm, a_hbm, out_hbm, xt, colv, rowv, av, csh):
    c = lax.axis_index("c")
    s = lax.axis_index("s")
    wid = c * 16 + s
    nsl = pl.ds(s * SLICE, SLICE)

    def _z(i, carry):
        av[pl.ds(i * 16, 16)] = jnp.zeros((16,), jnp.float32)
        return carry

    lax.fori_loop(0, SLICE // 16, _z, 0)
    pltpu.sync_copy(av.at[pl.ds(0, SLICE)], csh.at[nsl])
    pltpu.sync_copy(x_hbm, xt)
    plsc.subcore_barrier()

    ebase = wid * E_PER_W

    def _chunk(k, carry):
        off = ebase + k * K
        pltpu.sync_copy(col_hbm.at[pl.ds(off, K)], colv)
        pltpu.sync_copy(row_hbm.at[pl.ds(off, K)], rowv)
        pltpu.sync_copy(a_hbm.at[pl.ds(off, K)], av)

        def _mul(i, carry2):
            sl = pl.ds(i * 16, 16)
            xj = plsc.load_gather(xt, [colv[sl]])
            av[sl] = av[sl] * xj
            return carry2

        lax.fori_loop(0, GROUPS, _mul, 0)
        pltpu.sync_copy(av, csh.at[rowv], add=True)
        return carry

    lax.fori_loop(0, CHUNKS, _chunk, 0)
    plsc.subcore_barrier()
    pltpu.sync_copy(csh.at[nsl], out_hbm.at[c, nsl])


def _update_body(g_ref, x_ref, b_ref, ad_ref, p_ref, o_ref):
    w = g_ref[0, 0]
    cbar = p_ref[0] + p_ref[1]
    o_ref[...] = x_ref[...] + (w * (b_ref[...] - cbar)) / ad_ref[...]


def _update(x, b, adiag, part, g2):
    r = NPAD // 128
    out = pl.pallas_call(
        _update_body,
        out_shape=jax.ShapeDtypeStruct((r, 128), jnp.float32),
        in_specs=[
            pl.BlockSpec(memory_space=pltpu.SMEM),
            pl.BlockSpec(memory_space=pltpu.VMEM),
            pl.BlockSpec(memory_space=pltpu.VMEM),
            pl.BlockSpec(memory_space=pltpu.VMEM),
            pl.BlockSpec(memory_space=pltpu.VMEM),
        ],
        out_specs=pl.BlockSpec(memory_space=pltpu.VMEM),
    )(g2, x.reshape(r, 128), b.reshape(r, 128), adiag.reshape(r, 128),
      part.reshape(2, r, 128))
    return out.reshape(NPAD)


def kernel(n_iters, vertex_attr, edgeij_pair, edge_attr, g):
    row = edgeij_pair[0]
    col = edgeij_pair[1]
    a_e = edge_attr[:, 0]
    pad = NPAD - N_NODES
    adiag = jnp.pad(vertex_attr[:, 0], (0, pad), constant_values=1.0)
    b = jnp.pad(vertex_attr[:, 1], (0, pad))
    x0 = jnp.pad(vertex_attr[:, 2], (0, pad))
    g2 = g.reshape(1, 1)

    def body(_, x):
        part = _spmv(x, col, row, a_e)
        return _update(x, b, adiag, part, g2)

    x = lax.fori_loop(0, n_iters, body, x0)
    return x[:N_NODES].reshape(-1, 1)

# --- scband reference (transcript-rebuilt; emitter-appended) ---
"""Pipeline reference for scband-jacobi-gnn-91096256348953 (READ-ONLY COPY).

The authoritative reference and input builder live on the scoring server;
editing this copy changes nothing except your own understanding.
"""

import jax, jax.numpy as jnp
import numpy as np

N_NODES = 100000
N_EDGES = 6400000
N_ITERS = 4


def setup_inputs(seed: int = 0) -> dict:
    key = jax.random.key(seed)
    k1, k2, k3 = jax.random.split(key, 3)
    vertex_attr = jax.random.uniform(k1, (N_NODES, 3), dtype=jnp.float32)  # fill=rand
    edgeij_pair = jax.random.randint(k2, (2, N_EDGES), 0, N_NODES, dtype=jnp.int32)  # fill=randint (int64 in torch; int32 under jax default x32)
    edge_attr = jax.random.uniform(k3, (N_EDGES, 2), dtype=jnp.float32)  # fill=rand
    g = jnp.ones((1,), dtype=jnp.float32)  # fill=ones
    return {
        "n_iters": N_ITERS,
        "vertex_attr": vertex_attr,
        "edgeij_pair": edgeij_pair,
        "edge_attr": edge_attr,
        "g": g,
    }


def reference(n_iters, vertex_attr, edgeij_pair, edge_attr, g):
    # Faithful port of JacobiGNN.forward with PyG MetaLayer semantics:
    #   row, col = edge_index; edge_model(x[row], x[col], edge_attr, u, batch)
    #   then node_model(x, edge_index, edge_attr, u, batch)
    n = vertex_attr.shape[0]
    row = edgeij_pair[0]
    col = edgeij_pair[1]
    w = g[0]

    def body(_, carry):
        vertex_attr, edge_attr = carry
        # EdgeUpdate: [A_ij, c_ij] with c_ij = A_ij * x_j (x_j = vertex_attr[col, 2])
        A_ij = edge_attr[:, 0:1]
        x_j = jnp.take(vertex_attr[:, 2:3], col, axis=0)
        c_ij = A_ij * x_j
        edge_attr = jnp.concatenate([A_ij, c_ij], axis=1)
        # edge_to_vertex_aggregation: cbar_i = scatter-sum of c_ij over dst=row
        cbar_i = jax.ops.segment_sum(edge_attr[:, 1], row, num_segments=n).reshape(-1, 1)
        # VertexUpdate: x_i <- x_i + w * (b_i - cbar_i) / A_ii
        A_ii = vertex_attr[:, 0:1]
        b_i = vertex_attr[:, 1:2]
        x_i = vertex_attr[:, 2:3]
        x_i = x_i + w * (b_i - cbar_i) / A_ii
        vertex_attr = jnp.concatenate([A_ii, b_i, x_i], axis=1)
        return (vertex_attr, edge_attr)

    vertex_attr, edge_attr = jax.lax.fori_loop(0, n_iters, body, (vertex_attr, edge_attr))
    return vertex_attr[:, 2].reshape(-1, 1)

if __name__ == "__main__":
    import jax
    _d = setup_inputs()
    print(jax.jit(kernel)(*tuple(_d.values())))

</pallas_src>

<mosaic_0001>
#map = affine_map<(d0, d1) -> (0)>
#map1 = affine_map<(d0, d1) -> (0, 0)>
module attributes {stable_mosaic.version = 14 : i64} {
  func.func @_spmv(%arg0: i32, %arg1: i32, %arg2: memref<100352xf32, #tpu.memory_space<hbm>>, %arg3: memref<6400000xi32, #tpu.memory_space<hbm>>, %arg4: memref<6400000xi32, #tpu.memory_space<hbm>>, %arg5: memref<6400000xf32, #tpu.memory_space<hbm>>, %arg6: memref<2x100352xf32, #tpu.memory_space<hbm>>, %arg7: memref<100352xf32, #tpu.memory_space<vmem>>, %arg8: memref<8000xi32, #tpu.memory_space<vmem>>, %arg9: memref<8000xi32, #tpu.memory_space<vmem>>, %arg10: memref<8000xf32, #tpu.memory_space<vmem>>, %arg11: memref<100352xf32, #tpu.memory_space<vmem_shared>>) attributes {dimension_semantics = [#tpu.dimension_semantics<core_parallel>, #tpu.dimension_semantics<subcore_parallel>], iteration_bounds = array<i64: 2, 16>, scalar_prefetch = 0 : i64, scratch_operands = 5 : i64, tpu.core_type = #tpu.core_type<sc_vector_subcore>, window_params = [{transform_indices = #map}, {transform_indices = #map}, {transform_indices = #map}, {transform_indices = #map}, {transform_indices = #map1}]} {
    %mul3A = arith.constant 16 : i32
    %mul3A_0 = arith.muli %arg0, %mul3A : i32
    %add3A = arith.addi %mul3A_0, %arg1 : i32
    %mul3A_1 = arith.constant 6272 : i32
    %mul3A_2 = arith.muli %arg1, %mul3A_1 : i32
    %scan3A = arith.constant 0 : i32
    %scan3A_3 = arith.constant 0 : i32
    %scan3A_4 = arith.constant 392 : i32
    %scan3A_5 = arith.addi %scan3A_3, %scan3A_4 : i32
    %scan3A_6 = arith.constant 1 : i32
    scf.for %scan3A_17 = %scan3A_3 to %scan3A_5 step %scan3A_6  : i32 {
      %broadcast_in_dim3A = arith.constant 0.000000e+00 : f32
      %broadcast_in_dim3A_18 = vector.broadcast %broadcast_in_dim3A : f32 to vector<16xf32>
      %mul3A_19 = arith.constant 16 : i32
      %mul3A_20 = arith.muli %scan3A_17, %mul3A_19 : i32
      %swap3A = arith.index_cast %mul3A_20 : i32 to index
      %swap3A_21 = tpu.vector_load %arg10[%swap3A] {strides = array<i32>} : memref<8000xf32, #tpu.memory_space<vmem>>, vector<16xf32>,
      tpu.vector_store %arg10[%swap3A], %broadcast_in_dim3A_18 {strides = array<i32>} : memref<8000xf32, #tpu.memory_space<vmem>>, vector<16xf32>,
    }
    %scan3A_7 = arith.constant 392 : i32
    "tpu.region"() ({
      %run_scoped3A = tpu.sem_alloc : memref<!tpu.dma_semaphore, #tpu.memory_space<semaphore_mem>>
      %dma_start3A = arith.constant 0 : i32
      %dma_start3A_17 = tpu.memref_slice %arg10[%dma_start3A] : memref<8000xf32, #tpu.memory_space<vmem>> -> memref<6272xf32, #tpu.memory_space<vmem>>
      %dma_start3A_18 = tpu.memref_slice %arg11[%mul3A_2] : memref<100352xf32, #tpu.memory_space<vmem_shared>> -> memref<6272xf32, #tpu.memory_space<vmem_shared>>
      %dma_start3A_19 = tpu.memref_slice %arg11[%mul3A_2] : memref<100352xf32, #tpu.memory_space<vmem_shared>> -> memref<6272xf32, #tpu.memory_space<vmem_shared>>
      %dma_start3A_20 = arith.constant 0 : i32
      %dma_start3A_21 = tpu.memref_slice %arg10[%dma_start3A_20] : memref<8000xf32, #tpu.memory_space<vmem>> -> memref<6272xf32, #tpu.memory_space<vmem>>
      tpu.enqueue_dma source(%dma_start3A_21 : memref<6272xf32, #tpu.memory_space<vmem>>) target(%dma_start3A_19 : memref<6272xf32, #tpu.memory_space<vmem_shared>>) target_semaphore(%run_scoped3A : memref<!tpu.dma_semaphore, #tpu.memory_space<semaphore_mem>>)
      %dma_wait3A = arith.constant 0 : i32
      %dma_wait3A_22 = tpu.memref_slice %arg10[%dma_wait3A] : memref<8000xf32, #tpu.memory_space<vmem>> -> memref<6272xf32, #tpu.memory_space<vmem>>
      %dma_wait3A_23 = tpu.memref_slice %arg11[%mul3A_2] : memref<100352xf32, #tpu.memory_space<vmem_shared>> -> memref<6272xf32, #tpu.memory_space<vmem_shared>>
      %dma_wait3A_24 = tpu.memref_slice %arg11[%mul3A_2] : memref<100352xf32, #tpu.memory_space<vmem_shared>> -> memref<6272xf32, #tpu.memory_space<vmem_shared>>
      %dma_wait3A_25 = arith.constant 0 : i32
      %dma_wait3A_26 = tpu.memref_slice %arg10[%dma_wait3A_25] : memref<8000xf32, #tpu.memory_space<vmem>> -> memref<6272xf32, #tpu.memory_space<vmem>>
      tpu.wait_dma2 semaphore(%run_scoped3A : memref<!tpu.dma_semaphore, #tpu.memory_space<semaphore_mem>>) src(%dma_wait3A_26 : memref<6272xf32, #tpu.memory_space<vmem>>) dst(%dma_wait3A_24 : memref<6272xf32, #tpu.memory_space<vmem_shared>>)
      tpu.yield
    }) : () -> ()
    "tpu.region"() ({
      %run_scoped3A = tpu.sem_alloc : memref<!tpu.dma_semaphore, #tpu.memory_space<semaphore_mem>>
      tpu.enqueue_dma source(%arg2 : memref<100352xf32, #tpu.memory_space<hbm>>) target(%arg7 : memref<100352xf32, #tpu.memory_space<vmem>>) target_semaphore(%run_scoped3A : memref<!tpu.dma_semaphore, #tpu.memory_space<semaphore_mem>>)
      tpu.wait_dma2 semaphore(%run_scoped3A : memref<!tpu.dma_semaphore, #tpu.memory_space<semaphore_mem>>) src(%arg2 : memref<100352xf32, #tpu.memory_space<hbm>>) dst(%arg7 : memref<100352xf32, #tpu.memory_space<vmem>>)
      tpu.yield
    }) : () -> ()
    %barrier3A = arith.constant 0 : index
    tpu.barrier barrier_id(%barrier3A)
    %mul3A_8 = arith.constant 200000 : i32
    %mul3A_9 = arith.muli %add3A, %mul3A_8 : i32
    %scan3A_10 = arith.constant 0 : i32
    %scan3A_11 = arith.constant 0 : i32
    %scan3A_12 = arith.constant 25 : i32
    %scan3A_13 = arith.addi %scan3A_11, %scan3A_12 : i32
    %scan3A_14 = arith.constant 1 : i32
    scf.for %scan3A_17 = %scan3A_11 to %scan3A_13 step %scan3A_14  : i32 {
      %mul3A_18 = arith.constant 8000 : i32
      %mul3A_19 = arith.muli %scan3A_17, %mul3A_18 : i32
      %add3A_20 = arith.addi %mul3A_9, %mul3A_19 : i32
      "tpu.region"() ({
        %run_scoped3A = tpu.sem_alloc : memref<!tpu.dma_semaphore, #tpu.memory_space<semaphore_mem>>
        %dma_start3A = tpu.memref_slice %arg3[%add3A_20] : memref<6400000xi32, #tpu.memory_space<hbm>> -> memref<8000xi32, #tpu.memory_space<hbm>>
        %dma_start3A_27 = tpu.memref_slice %arg3[%add3A_20] : memref<6400000xi32, #tpu.memory_space<hbm>> -> memref<8000xi32, #tpu.memory_space<hbm>>
        tpu.enqueue_dma source(%dma_start3A_27 : memref<8000xi32, #tpu.memory_space<hbm>>) target(%arg8 : memref<8000xi32, #tpu.memory_space<vmem>>) target_semaphore(%run_scoped3A : memref<!tpu.dma_semaphore, #tpu.memory_space<semaphore_mem>>)
        %dma_wait3A = tpu.memref_slice %arg3[%add3A_20] : memref<6400000xi32, #tpu.memory_space<hbm>> -> memref<8000xi32, #tpu.memory_space<hbm>>
        %dma_wait3A_28 = tpu.memref_slice %arg3[%add3A_20] : memref<6400000xi32, #tpu.memory_space<hbm>> -> memref<8000xi32, #tpu.memory_space<hbm>>
        tpu.wait_dma2 semaphore(%run_scoped3A : memref<!tpu.dma_semaphore, #tpu.memory_space<semaphore_mem>>) src(%dma_wait3A_28 : memref<8000xi32, #tpu.memory_space<hbm>>) dst(%arg8 : memref<8000xi32, #tpu.memory_space<vmem>>)
        tpu.yield
      }) : () -> ()
      "tpu.region"() ({
        %run_scoped3A = tpu.sem_alloc : memref<!tpu.dma_semaphore, #tpu.memory_space<semaphore_mem>>
        %dma_start3A = tpu.memref_slice %arg4[%add3A_20] : memref<6400000xi32, #tpu.memory_space<hbm>> -> memref<8000xi32, #tpu.memory_space<hbm>>
        %dma_start3A_27 = tpu.memref_slice %arg4[%add3A_20] : memref<6400000xi32, #tpu.memory_space<hbm>> -> memref<8000xi32, #tpu.memory_space<hbm>>
        tpu.enqueue_dma source(%dma_start3A_27 : memref<8000xi32, #tpu.memory_space<hbm>>) target(%arg9 : memref<8000xi32, #tpu.memory_space<vmem>>) target_semaphore(%run_scoped3A : memref<!tpu.dma_semaphore, #tpu.memory_space<semaphore_mem>>)
        %dma_wait3A = tpu.memref_slice %arg4[%add3A_20] : memref<6400000xi32, #tpu.memory_space<hbm>> -> memref<8000xi32, #tpu.memory_space<hbm>>
        %dma_wait3A_28 = tpu.memref_slice %arg4[%add3A_20] : memref<6400000xi32, #tpu.memory_space<hbm>> -> memref<8000xi32, #tpu.memory_space<hbm>>
        tpu.wait_dma2 semaphore(%run_scoped3A : memref<!tpu.dma_semaphore, #tpu.memory_space<semaphore_mem>>) src(%dma_wait3A_28 : memref<8000xi32, #tpu.memory_space<hbm>>) dst(%arg9 : memref<8000xi32, #tpu.memory_space<vmem>>)
        tpu.yield
      }) : () -> ()
      "tpu.region"() ({
        %run_scoped3A = tpu.sem_alloc : memref<!tpu.dma_semaphore, #tpu.memory_space<semaphore_mem>>
        %dma_start3A = tpu.memref_slice %arg5[%add3A_20] : memref<6400000xf32, #tpu.memory_space<hbm>> -> memref<8000xf32, #tpu.memory_space<hbm>>
        %dma_start3A_27 = tpu.memref_slice %arg5[%add3A_20] : memref<6400000xf32, #tpu.memory_space<hbm>> -> memref<8000xf32, #tpu.memory_space<hbm>>
        tpu.enqueue_dma source(%dma_start3A_27 : memref<8000xf32, #tpu.memory_space<hbm>>) target(%arg10 : memref<8000xf32, #tpu.memory_space<vmem>>) target_semaphore(%run_scoped3A : memref<!tpu.dma_semaphore, #tpu.memory_space<semaphore_mem>>)
        %dma_wait3A = tpu.memref_slice %arg5[%add3A_20] : memref<6400000xf32, #tpu.memory_space<hbm>> -> memref<8000xf32, #tpu.memory_space<hbm>>
        %dma_wait3A_28 = tpu.memref_slice %arg5[%add3A_20] : memref<6400000xf32, #tpu.memory_space<hbm>> -> memref<8000xf32, #tpu.memory_space<hbm>>
        tpu.wait_dma2 semaphore(%run_scoped3A : memref<!tpu.dma_semaphore, #tpu.memory_space<semaphore_mem>>) src(%dma_wait3A_28 : memref<8000xf32, #tpu.memory_space<hbm>>) dst(%arg10 : memref<8000xf32, #tpu.memory_space<vmem>>)
        tpu.yield
      }) : () -> ()
      %scan3A_21 = arith.constant 0 : i32
      %scan3A_22 = arith.constant 0 : i32
      %scan3A_23 = arith.constant 500 : i32
      %scan3A_24 = arith.addi %scan3A_22, %scan3A_23 : i32
      %scan3A_25 = arith.constant 1 : i32
      scf.for %scan3A_27 = %scan3A_22 to %scan3A_24 step %scan3A_25  : i32 {
        %mul3A_28 = arith.constant 16 : i32
        %mul3A_29 = arith.muli %scan3A_27, %mul3A_28 : i32
        %get3A = arith.index_cast %mul3A_29 : i32 to index
        %get3A_30 = tpu.vector_load %arg8[%get3A] {strides = array<i32>} : memref<8000xi32, #tpu.memory_space<vmem>>, vector<16xi32>,
        %gather3A = tpu.vector_load_idx %arg7[%get3A_30] : memref<100352xf32, #tpu.memory_space<vmem>>[vector<16xi32>], vector<16xf32>,
        %get3A_31 = arith.index_cast %mul3A_29 : i32 to index
        %get3A_32 = tpu.vector_load %arg10[%get3A_31] {strides = array<i32>} : memref<8000xf32, #tpu.memory_space<vmem>>, vector<16xf32>,
        %mul3A_33 = arith.mulf %get3A_32, %gather3A : vector<16xf32>
        %swap3A = arith.index_cast %mul3A_29 : i32 to index
        %swap3A_34 = tpu.vector_load %arg10[%swap3A] {strides = array<i32>} : memref<8000xf32, #tpu.memory_space<vmem>>, vector<16xf32>,
        tpu.vector_store %arg10[%swap3A], %mul3A_33 {strides = array<i32>} : memref<8000xf32, #tpu.memory_space<vmem>>, vector<16xf32>,
      }
      %scan3A_26 = arith.constant 500 : i32
      "tpu.region"() ({
        %run_scoped3A = tpu.sem_alloc : memref<!tpu.dma_semaphore, #tpu.memory_space<semaphore_mem>>
        %dma_start3A = arith.constant 0 : i32
        %dma_start3A_27 = tpu.memref_slice %arg11[%dma_start3A] : memref<100352xf32, #tpu.memory_space<vmem_shared>> -> memref<100352xf32, #tpu.memory_space<vmem_shared>>
        tpu.enqueue_indirect_dma source(%arg10 : memref<8000xf32, #tpu.memory_space<vmem>>) target(%dma_start3A_27 : memref<100352xf32, #tpu.memory_space<vmem_shared>>) offsets(%arg9 : memref<8000xi32, #tpu.memory_space<vmem>>) semaphore(%run_scoped3A : memref<!tpu.dma_semaphore, #tpu.memory_space<semaphore_mem>>) {add = true}
        %dma_wait3A = arith.constant 0 : i32
        %dma_wait3A_28 = tpu.memref_slice %arg11[%dma_wait3A] : memref<100352xf32, #tpu.memory_space<vmem_shared>> -> memref<100352xf32, #tpu.memory_space<vmem_shared>>
        tpu.wait_indirect_dma semaphore(%run_scoped3A : memref<!tpu.dma_semaphore, #tpu.memory_space<semaphore_mem>>) src(%arg10 : memref<8000xf32, #tpu.memory_space<vmem>>) dst(%dma_wait3A_28 : memref<100352xf32, #tpu.memory_space<vmem_shared>>)
        tpu.yield
      }) : () -> ()
    }
    %scan3A_15 = arith.constant 25 : i32
    %barrier3A_16 = arith.constant 0 : index
    tpu.barrier barrier_id(%barrier3A_16)
    "tpu.region"() ({
      %run_scoped3A = tpu.sem_alloc : memref<!tpu.dma_semaphore, #tpu.memory_space<semaphore_mem>>
      %dma_start3A = tpu.memref_slice %arg6[%arg0, %mul3A_2] : memref<2x100352xf32, #tpu.memory_space<hbm>> -> memref<1x6272xf32, #tpu.memory_space<hbm>>
      %dma_start3A_17 = tpu.memref_squeeze %dma_start3A : memref<1x6272xf32, #tpu.memory_space<hbm>> -> memref<6272xf32, #tpu.memory_space<hbm>>
      %dma_start3A_18 = tpu.memref_slice %arg11[%mul3A_2] : memref<100352xf32, #tpu.memory_space<vmem_shared>> -> memref<6272xf32, #tpu.memory_space<vmem_shared>>
      tpu.enqueue_dma source(%dma_start3A_18 : memref<6272xf32, #tpu.memory_space<vmem_shared>>) target(%dma_start3A_17 : memref<6272xf32, #tpu.memory_space<hbm>>) target_semaphore(%run_scoped3A : memref<!tpu.dma_semaphore, #tpu.memory_space<semaphore_mem>>)
      %dma_wait3A = tpu.memref_slice %arg6[%arg0, %mul3A_2] : memref<2x100352xf32, #tpu.memory_space<hbm>> -> memref<1x6272xf32, #tpu.memory_space<hbm>>
      %dma_wait3A_19 = tpu.memref_squeeze %dma_wait3A : memref<1x6272xf32, #tpu.memory_space<hbm>> -> memref<6272xf32, #tpu.memory_space<hbm>>
      %dma_wait3A_20 = tpu.memref_slice %arg11[%mul3A_2] : memref<100352xf32, #tpu.memory_space<vmem_shared>> -> memref<6272xf32, #tpu.memory_space<vmem_shared>>
      tpu.wait_dma2 semaphore(%run_scoped3A : memref<!tpu.dma_semaphore, #tpu.memory_space<semaphore_mem>>) src(%dma_wait3A_20 : memref<6272xf32, #tpu.memory_space<vmem_shared>>) dst(%dma_wait3A_19 : memref<6272xf32, #tpu.memory_space<hbm>>)
      tpu.yield
    }) : () -> ()
    return
  }
}

module attributes {stable_mosaic.version = 14 : i64} {
  func.func @_update_body(%arg0: memref<1x1xf32, #tpu.memory_space<smem>>, %arg1: memref<784x128xf32, #tpu.memory_space<vmem>>, %arg2: memref<784x128xf32, #tpu.memory_space<vmem>>, %arg3: memref<784x128xf32, #tpu.memory_space<vmem>>, %arg4: memref<2x784x128xf32, #tpu.memory_space<vmem>>, %arg5: memref<784x128xf32, #tpu.memory_space<vmem>>) attributes {dimension_semantics = [], scalar_prefetch = 0 : i64, scratch_operands = 0 : i64, tpu.core_type = #tpu.core_type<tc>} {
    %get3A = arith.constant 0 : index
    %get3A_0 = arith.constant 0 : index
    %get3A_1 = memref.load %arg0[%get3A, %get3A_0] : memref<1x1xf32, #tpu.memory_space<smem>>
    %get3A_2 = arith.constant 0 : index
    %get3A_3 = arith.constant 0 : index
    %get3A_4 = arith.constant 0 : index
    %get3A_5 = vector.load %arg4[%get3A_2, %get3A_3, %get3A_4] : memref<2x784x128xf32, #tpu.memory_space<vmem>>, vector<1x784x128xf32>
    %get3A_6 = vector.shape_cast %get3A_5 : vector<1x784x128xf32> to vector<784x128xf32>
    %get3A_7 = arith.constant 1 : index
    %get3A_8 = arith.constant 0 : index
    %get3A_9 = arith.constant 0 : index
    %get3A_10 = vector.load %arg4[%get3A_7, %get3A_8, %get3A_9] : memref<2x784x128xf32, #tpu.memory_space<vmem>>, vector<1x784x128xf32>
    %get3A_11 = vector.shape_cast %get3A_10 : vector<1x784x128xf32> to vector<784x128xf32>
    %add3A = arith.addf %get3A_6, %get3A_11 : vector<784x128xf32>
    %get3A_12 = arith.constant 0 : index
    %get3A_13 = arith.constant 0 : index
    %get3A_14 = vector.load %arg1[%get3A_12, %get3A_13] : memref<784x128xf32, #tpu.memory_space<vmem>>, vector<784x128xf32>
    %get3A_15 = arith.constant 0 : index
    %get3A_16 = arith.constant 0 : index
    %get3A_17 = vector.load %arg2[%get3A_15, %get3A_16] : memref<784x128xf32, #tpu.memory_space<vmem>>, vector<784x128xf32>
    %sub3A = arith.subf %get3A_17, %add3A : vector<784x128xf32>
    %mul3A = vector.broadcast %get3A_1 : f32 to vector<784x128xf32>
    %mul3A_18 = arith.mulf %mul3A, %sub3A : vector<784x128xf32>
    %get3A_19 = arith.constant 0 : index
    %get3A_20 = arith.constant 0 : index
    %get3A_21 = vector.load %arg3[%get3A_19, %get3A_20] : memref<784x128xf32, #tpu.memory_space<vmem>>, vector<784x128xf32>
    %div3A = arith.divf %mul3A_18, %get3A_21 : vector<784x128xf32>
    %add3A_22 = arith.addf %get3A_14, %div3A : vector<784x128xf32>
    %swap3A = arith.constant 0 : index
    %swap3A_23 = arith.constant 0 : index
    %swap3A_24 = vector.load %arg5[%swap3A, %swap3A_23] : memref<784x128xf32, #tpu.memory_space<vmem>>, vector<784x128xf32>
    tpu.vector_store %arg5[%swap3A, %swap3A_23], %add3A_22 {strides = array<i32>} : memref<784x128xf32, #tpu.memory_space<vmem>>, vector<784x128xf32>,
    return
  }
}

</mosaic_0001>

<sc_bundles>
// kernel: body.8.cloned.1.call-start
scs
__scs_entry_jumppad:
0x0: {  	(pc) =	sbr.rel $0x88, $3  }
0x1: {  	(tag) =	ssettag $0x0;
	lr =	simm.s32 $0x1  }
0x2: {  	[smem:$0x3F9C] =	sst lr;
	_ =	strace $0xD0000000  }
0x3: {  	_ = 	snop  }
0x4: {  	_ = 	snop  }
0x5: {  	_ = 	snop  }
0x6: {  	_ = 	snop  }
0x7: {  	_ = 	snop  }
__scs_overlays_trampoline_lowered:
0x8: {  	[smem:$0x3FAB] =	sst s0  }
0x9: {  	[smem:$0x3FAC] =	sst s1  }
0xa: {  	[smem:$0x3FAD] =	sst s2  }
0xb: {  	[smem:$0x3FAE] =	sst s3  }
0xc: {  	[smem:$0x3FAF] =	sst s4  }
0xd: {  	[smem:$0x3FB0] =	sst s5  }
0xe: {  	[smem:$0x3FB1] =	sst s6  }
0xf: {  	[smem:$0x3FB2] =	sst s7  }
0x10: {  	[smem:$0x3FB3] =	sst s8  }
0x11: {  	[smem:$0x3FB4] =	sst s9;
	s0 =	simm.s32 @!p0 $0x0  }
0x12: {  	s1 =	sld [smem:$0x3F9A];
	s0 =	simm.s32 @p0 $0x1  }
0x13: {  	[smem:$0x3FB5] =	sst s0;
	s0 =	simm.s32 @!p1 $0x0  }
0x14: {  	s2 =	sld [smem:$0x3F99];
	s0 =	simm.s32 @p1 $0x1  }
0x15: {  	[smem:$0x3FB6] =	sst s0;
	s0 =	simm.s32 @!p2 $0x0  }
0x16: {  	s3 =	sld [smem:$0x3FDB];
	s0 =	simm.s32 @p2 $0x1  }
0x17: {  	s4 =	simm.s32 $0x1BF5;
	[smem:$0x3FB8] =	sst s0  }
0x18: {  	s0 =	sld [smem:$0x3F9B];
	_ =	swait.ge [sflag:s4], $0x0  }
0x19: {  	s7 =	sld [smem:$0x3F9C]  }
0x1a: {  	s8 =	sadd.s32 $0xFFFFE003, lr  }
0x1b: {  	s9 =	sadd.s32 $0xFFFFFEF7, lr;
	s5 =	simm.s32 $0xFFFFFFFF;
	p2 =	slt.u32 s8, $0xFFFFF086  }
0x1c: {  	p1 =	slt.u32 s9, $0xF7A;
	s5 =	simm.s32 @!p2 $0x0  }
0x1d: {  	s5 =	simm.s32 @p1 $0x1;
	p0 =	seq.s32 s7, s2  }
0x1e: {  	s7 =	smul.u32 @!p0 $0xF7A, s2;
	p2 =	seq.s32 @!p0 s5, $0x0  }
0x1f: {  	s9 =	smul.u32 $0xF7A, s1;
	s8 =	simm.s32 @!p0 $0x1BF5;
	p2 =	por !p2, p0  }
0x20: {  	[sflag:s8] =	ssyncset.s32 @!p0 $0xFFFFF086;
	s6 =	sadd.s32 @!p0 s3, s7;
	s7 =	simm.s32 @!p0 $0x108  }
0x21: {  	s3 =	sadd.s32 s3, s9;
	s6 =	sadd.s32 @!p0 $0x88, s6;
	s7 =	simm.s32 @p2 $0x1082  }
0x22: {  	[simem:s7], [sflag:s8] =	dma.local @!p0 [hbm:s6], $0xF7A  }
0x23: {  	s9 =	sor.u32 $0xD0000000, s2;
	s6 =	simm.s32 $0x108;
	_ =	swait.ge @!p0 [sflag:s8], $0x0  }
0x24: {  	s3 =	sadd.s32 $0x88, s3;
	s6 =	simm.s32 @!p1 $0x1082;
	[sflag:s4] =	ssyncset.s32 $0xFFFFF086  }
0x25: {  	[simem:s6], [sflag:s4] =	dma.local [hbm:s3], $0xF7A  }
0x26: {  	[smem:$0x3F9C] =	sst s1;
	(tag) =	ssettag s2;
	_ =	strace s9  }
0x27: {  	s1 =	sld [smem:$0x3FAC]  }
0x28: {  	s2 =	sld [smem:$0x3FAD]  }
0x29: {  	s4 =	sld [smem:$0x3FAF]  }
0x2a: {  	p0 =	seq.s32 s5, $0x0;
	s5 =	sld [smem:$0x3FB0]  }
0x2b: {  	s6 =	sld [smem:$0x3FB1]  }
0x2c: {  	s7 =	sld [smem:$0x3FB2]  }
0x2d: {  	s3 =	simm.s32 $0x108;
	s8 =	sld [smem:$0x3FB3]  }
0x2e: {  	s3 =	simm.s32 @!p0 $0x1082;
	s9 =	sld [smem:$0x3FB4]  }
0x2f: {  	lr =	sadd.s32 s0, s3;
	s0 =	sld [smem:$0x3FAB]  }
0x30: {  	s3 =	sld [smem:$0x3FAE]  }
0x31: {  	[smem:$0x3FB7] =	sst s10  }
0x32: {  	s10 =	sld [smem:$0x3FB5];
	_ =	sdelay $0x3  }
0x33: {  	p0 =	seq.s32 s10, $0x1;
	s10 =	sld [smem:$0x3FB7];
	_ =	sdelay $0x3  }
0x34: {  	[smem:$0x3FB7] =	sst s10  }
0x35: {  	s10 =	sld [smem:$0x3FB6];
	_ =	sdelay $0x3  }
0x36: {  	p1 =	seq.s32 s10, $0x1;
	s10 =	sld [smem:$0x3FB7];
	_ =	sdelay $0x3  }
0x37: {  	[smem:$0x3FB7] =	sst s10  }
0x38: {  	s10 =	sld [smem:$0x3FB8]  }
0x39: {  	_ = 	snop;
	(pc) =	sbr.ind lr, $3  }
0x3a: {  	_ = 	snop  }
0x3b: {  	_ = 	snop  }
0x3c: {  	p2 =	seq.s32 s10, $0x1;
	s10 =	sld [smem:$0x3FB7]  }
0x3d: {  	_ =	shalt  }
0x3e: {  	_ =	shalt  }
0x3f: {  	_ =	shalt  }
0x40: {  	_ =	shalt  }
0x41: {  	_ =	shalt  }
0x42: {  	_ =	shalt  }
0x43: {  	_ =	shalt  }
0x44: {  	_ =	shalt  }
0x45: {  	_ =	shalt  }
0x46: {  	_ =	shalt  }
0x47: {  	_ =	shalt  }
0x48: {  	_ =	shalt  }
0x49: {  	_ =	shalt  }
0x4a: {  	_ =	shalt  }
0x4b: {  	_ =	shalt  }
0x4c: {  	_ =	shalt  }
0x4d: {  	_ =	shalt  }
0x4e: {  	_ =	shalt  }
0x4f: {  	_ =	shalt  }
0x50: {  	_ =	shalt  }
0x51: {  	_ =	shalt  }
0x52: {  	_ =	shalt  }
0x53: {  	_ =	shalt  }
0x54: {  	_ =	shalt  }
0x55: {  	_ =	shalt  }
0x56: {  	_ =	shalt  }
0x57: {  	_ =	shalt  }
0x58: {  	_ =	shalt  }
0x59: {  	_ =	shalt  }
0x5a: {  	_ =	shalt  }
0x5b: {  	_ =	shalt  }
0x5c: {  	_ =	shalt  }
0x5d: {  	_ =	shalt  }
0x5e: {  	_ =	shalt  }
0x5f: {  	_ =	shalt  }
0x60: {  	_ =	shalt  }
0x61: {  	_ =	shalt  }
0x62: {  	_ =	shalt  }
0x63: {  	_ =	shalt  }
0x64: {  	_ =	shalt  }
0x65: {  	_ =	shalt  }
0x66: {  	_ =	shalt  }
0x67: {  	_ =	shalt  }
0x68: {  	_ =	shalt  }
0x69: {  	_ =	shalt  }
0x6a: {  	_ =	shalt  }
0x6b: {  	_ =	shalt  }
0x6c: {  	_ =	shalt  }
0x6d: {  	_ =	shalt  }
0x6e: {  	_ =	shalt  }
0x6f: {  	_ =	shalt  }
0x70: {  	_ =	shalt  }
0x71: {  	_ =	shalt  }
0x72: {  	_ =	shalt  }
0x73: {  	_ =	shalt  }
0x74: {  	_ =	shalt  }
0x75: {  	_ =	shalt  }
0x76: {  	_ =	shalt  }
0x77: {  	_ =	shalt  }
0x78: {  	_ =	shalt  }
0x79: {  	_ =	shalt  }
0x7a: {  	_ =	shalt  }
0x7b: {  	_ =	shalt  }
0x7c: {  	_ =	shalt  }
0x7d: {  	_ =	shalt  }
0x7e: {  	_ =	shalt  }
0x7f: {  	_ =	shalt  }
0x80: {  	_ =	shalt  }
0x81: {  	_ =	shalt  }
0x82: {  	_ =	shalt  }
0x83: {  	_ =	shalt  }
0x84: {  	_ =	shalt  }
0x85: {  	_ =	shalt  }
0x86: {  	_ =	shalt  }
0x87: {  	_ =	shalt  }
.Lfunc_end0:
.L_simem_size_0:
called_computation_lowered:
.L_overlay_start_0:
0x88: {  	s2 =	sld [smem:$0x3FD9]  }
0x89: {  	s3 =	sld [smem:$0x3FFE];
	_ =	sdelay $0x1  }
0x8a: {  	s1 =	srdreg.scid  }
0x8b: {  	s0 =	sand.u32 $0x1, s1  }
0x8c: {  	s16 =	sshll.u32 s0, $0xA;
	s2 =	sadd.s32 s3, s2  }
0x8d: {  	s2 =	sadd.s32 s2, s16  }
0x8e: {  	[smem:$0x3FC3] =	sst s2  }
0x8f: {  	_ = 	snop  }
0x90: {  	(tm) =	ssettm $0x1  }
0x91: {  	s17 =	sld [smem:$0x3FFB];
	_ =	sdelay $0x3  }
0x92: {  	_ =	strace s17  }
0x93: {  	s2 =	sld [smem:$0x3FFC];
	_ =	sdelay $0x3  }
0x94: {  	_ =	strace s2  }
0x95: {  	s2 =	sld [smem:$0x3FFD];
	_ =	sdelay $0x3  }
0x96: {  	_ =	strace s2  }
0x97: {  	_ =	strace $0x8FFFFFFF  }
0x98: {  	s18 =	sld [smem:$0x3FDB];
	_ =	sdelay $0x1  }
0x99: {  	s19 =	simm.s32 $_scs_section_size  }
0x9a: {  	s4 =	simm.s32 $_size__tile_overlayer_lowered;
	s5 =	simm.s32 $_tile_overlayer_lowered  }
0x9b: {  	s22 =	simm.s32 $0x1BFF;
	s21 =	sshll.u32 s5, $0x1;
	s2 =	sadd.s32 s19, s18  }
0x9c: {  	s6 =	simm.s32 $0x0;
	s20 =	sshll.u32 s4, $0x1;
	s4 =	sadd.s32 s21, s2  }
0x9d: {  	[timem:s6], [sflag:s22] =	dma.local [hbm:s4], s20  }
0x9e: {  	_ =	swait.ge [sflag:s22], s20  }
0x9f: {  	s3 =	ssub.s32 $0x0, s20;
	[sflag:s22] =	ssyncset.done $0x0  }
0xa0: {  	[sflag:s22] =	ssyncadd.s32 s3;
	_ =	sdelay $0x1  }
0xa1: {  	s23 =	simm.s32 $0x1B8B  }
0xa2: {  	_ =	swait.ge [sflag:s23], $0x1  }
0xa3: {  	[sflag:s23] =	ssyncset.done $0x0  }
0xa4: {  	s25 =	simm.s32 $0x1B8E;
	s24 =	sld [smem:$0x3FFE];
	[sflag:s23] =	ssyncadd.s32 $0xFFFFFFFF  }
0xa5: {  	s26 =	simm.s32 $execute0_lowered;
	[smem:$0x3FD2] =	sst s25  }
0xa6: {  	s4 =	sshll.u32 s26, $0x1;
	_ =	strace $0x80000046;
	[dreg:$0x1] =	wrdreg $0xFFFFFFFF  }
0xa7: {  	s28 =	simm.s32 $_size_execute0_lowered;
	s2 =	sadd.s32 s2, s4;
	[dreg:$0x0] =	wrdreg $0x0  }
0xa8: {  	s4 =	sshll.u32 s28, $0x1;
	[dreg:$0x2] =	wrdreg s2  }
0xa9: {  	[dreg:$0x3] =	wrdreg s4  }
0xaa: {  	[dreg:$0x4] =	wrdreg $0xC0  }
0xab: {  	_ =	task [dreg:s6], $0x5FFFF  }
0xac: {  	[dreg:$0x1] =	wrdreg $0xFFFFFFFF  }
0xad: {  	[dreg:$0x0] =	wrdreg $0x60  }
0xae: {  	[dreg:$0x2] =	wrdreg s24  }
0xaf: {  	[dreg:$0x3] =	wrdreg $0x1E5C00  }
0xb0: {  	[dreg:$0x4] =	wrdreg $0x9  }
0xb1: {  	_ =	task.clear_ibuf [dreg:s6], $0x5FFFF;
	_ =	strace $0x90000046  }
0xb2: {  	s29 =	simm.s32 $0x9;
	_ =	strace $0x80000048  }
0xb3: {  	_ =	swait.ge [sflag:s29], $0x1  }
0xb4: {  	[sflag:s29] =	ssyncadd.s32 $0xFFFFFFFF  }
0xb5: {  	_ =	strace $0x90000048  }
0xb6: {  	_ =	sfence  }
0xb7: {  	s30 =	sld [smem:$0x0];
	_ =	sdelay $0x2  }
0xb8: {  	s31 =	sshll.u32 s1, $0xD;
	s1 =	sshrl.u32 s1, $0x2  }
0xb9: {  	s3 =	sand.u32 $0x4000, s31;
	s1 =	sadd.s32 s1, s30  }
0xba: {  	s0 =	sor.u32 s3, s0;
	s1 =	sshll.u32 s1, $0x11  }
0xbb: {  	s0 =	sor.u32 s1, s0  }
0xbc: {  	s0 =	sadd.s32 $0x8F2B, s0  }
0xbd: {  	[sflag:s0] =	ssyncadd.remote.s32 $0x1  }
0xbe: {  	_ =	sfence.sel $0xFFFF  }
0xbf: {  	[dreg:$0x0] =	wrdreg $0xFFFFFFFF;
	(pc) =	sbr.abs _section_cstart, $3  }
0xc0: {  	[dreg:$0x1] =	wrdreg $0xFFFFFFFF  }
0xc1: {  	_ =	task.clear_ibuf [dreg:s6], $0x2FFFF;
	_ =	strace $0x9FFFFFFF  }
0xc2: {  	(tm) =	ssettm $0x7FFFFFFF  }
0xc3: {  	_ =	shalt  }
tec
execute0_lowered:
.L_overlay_start_1:
0x0: {  	(tag) =	ssettag $0x1  }
0x1: {  	s8 =	rddreg [dreg:$0x0]  }
0x2: {  	s2 =	rddreg [dreg:$0x1]  }
0x3: {  	s0 =	rddreg [dreg:$0x2]  }
0x4: {  	s4 =	srdreg.scid;
	s1 =	stileid.u32;
	s3 =	simm.s32 $0x0  }
0x5: {  	s13 =	simm.s32 $0x1;
	s14 =	simm.s32 $0x18800;
	s15 =	simm.s32 $0x1A740  }
0x6: {  	s16 =	simm.s32 $0x1F40;
	s19 =	simm.s32 $0x0;
	s9 =	sand.u32 $0x1, s4  }
0x7: {  	s10 =	smul.u32 $0x1880, s1;
	[smem:$0x7FF] =	sst s3;
	s4 =	sadd.s32 $0x24A600, s8  }
0x8: {  	s5 =	sadd.s32 $0x400, s8;
	s6 =	sadd.s32 $0x187000, s8;
	s7 =	smul.u32 $0x18800, s9  }
0x9: {  	s17 =	sshll.u32 s1, $0x6;
	_ =	strace $0x80000047;
	s12 =	ssub.s32 $0x2, s9  }
0xa: {  	s9 =	sshll.u32 s9, $0x4;
	s17 =	sor.u32 $0x1C01, s17;
	s11 =	sadd.s32 s10, s7  }
0xb: {  	s31 =	sshrl.u32 s12, $0x1;
	s9 =	sor.u32 s1, s9;
	s11 =	sshrl.u32 s11, $0x3  }
0xc: {  	s7 =	sadd.s32 $0xC3A00, s8;
	s12 =	ssub.s32 s12, s31;
	s11 =	sadd.s32 s11, s8  }
0xd: {  	s9 =	smul.u32 $0x30D40, s9;
	s8 =	sadd.s32 s10, s2;
	s10 =	sadd.s32 $0x24D800, s11  }
0xe: {  	v0 =	vimm.f32 $0.0e+00;
	s11 =	smax.u32 s12, $0x1;
	s12 =	simm.s32 $0x1C680;
	s18 =	sshrl.u32 s8, $0x3  }
.LBB2_1:
0xf: {  	s20 =	simm.s32 $0x40;
	s21 =	simm.s32 $0x0  }
.LBB2_2:
0x10: {  	p0 =	sne.s32 s20, $0x61C0;
	[tilespmem:s21+$0x1C680] =	vst v0;
	s21 =	smov.u32 s20;
	s20 =	sadd.s32 $0x40, s20  }
.Ltmp0:
0x11: {  	(pc) =	sbr.rel @p0 .LBB2_2-.Ltmp0, $2  }
0x12: {  	_ =	sdelay $0x2  }
0x13: {  	s21 =	sshra.s32 s21, $0x2  }
0x14: {  	[tilespmem:s21+$0x1C680] =	vst v0  }
0x15: {  	[spmem:s8] =	stream.linear.scatter [tilespmem:s12], [sflag:$0x1], $0x1880, $0x38;
	[tilespmem:$0x1FE40] =	vst v63  }
0x16: {  	_ =	swait.ge [sflag:s13], $0x1880  }
0x17: {  	[sflag:s13] =	ssyncset.done $0x0  }
0x18: {  	s20 =	simm.s32 $0x0;
	[sflag:s13] =	ssyncadd.s32 $0xFFFFE780  }
0x19: {  	[tilespmem:s20], [sflag:$0x1] =	stream.linear.gather [hbm4b:s4+s20], $0x18800, $0x38;
	[tilespmem:$0x1FE40] =	vst v63  }
0x1a: {  	_ =	swait.ge [sflag:s13], $0x18800  }
0x1b: {  	[sflag:s13] =	ssyncset.done $0x0  }
0x1c: {  	[sflag:s13] =	ssyncadd.s32 $0xFFFE7800  }
0x1d: {  	s21 =	simm.s32 $0x0;
	[bflag:$0x0] =	sbarrier.arrive $0xFFFF  }
.LBB2_4:
0x1e: {  	s22 =	smul.u32 $0x1F40, s21;
	_ =	sdelay $0x1  }
0x1f: {  	s22 =	sadd.s32 s9, s22  }
0x20: {  	s22 =	sshrl.u32 s22, $0x3  }
0x21: {  	s23 =	sadd.s32 s5, s22  }
0x22: {  	[tilespmem:s14], [sflag:$0x1] =	stream.linear.gather [hbm4b:s23+s20], $0x1F40, $0x38;
	[tilespmem:$0x1FE40] =	vst v63  }
0x23: {  	_ =	swait.ge [sflag:s13], $0x1F40  }
0x24: {  	[sflag:s13] =	ssyncset.done $0x0  }
0x25: {  	s31 =	sadd.s32 s6, s22;
	[sflag:s13] =	ssyncadd.s32 $0xFFFFE0C0  }
0x26: {  	[tilespmem:s15], [sflag:$0x1] =	stream.linear.gather [hbm4b:s31+s20], $0x1F40, $0x38;
	[tilespmem:$0x1FE40] =	vst v63  }
0x27: {  	_ =	swait.ge [sflag:s13], $0x1F40  }
0x28: {  	[sflag:s13] =	ssyncset.done $0x0  }
0x29: {  	s22 =	sadd.s32 s7, s22;
	[sflag:s13] =	ssyncadd.s32 $0xFFFFE0C0  }
0x2a: {  	[tilespmem:s12], [sflag:$0x1] =	stream.linear.gather [hbm4b:s22+s20], $0x1F40, $0x38;
	[tilespmem:$0x1FE40] =	vst v63  }
0x2b: {  	_ =	swait.ge [sflag:s13], $0x1F40  }
0x2c: {  	[sflag:s13] =	ssyncset.done $0x0  }
0x2d: {  	s23 =	simm.s32 $0x0;
	[sflag:s13] =	ssyncadd.s32 $0xFFFFE0C0  }
0x2e: {  	v2 =	vld [tilespmem:s23+$0x18800];
	_ =	sdelay $0x5  }
0x2f: {  	s22 =	simm.s32 $0x10  }
0x30: {  	v1 =	vld [tilespmem:s22+$0x18800]  }
0x31: {  	s24 =	simm.s32 $0x80;
	v2 =	vld.idx.msk [tilespmem:v2+s3+$0x0], $0xffff  }
.LBB2_5:
0x32: {  	p0 =	sne.s32 s24, $0x7CC0;
	v3 =	vld [tilespmem:s23+$0x1C680];
	_ =	sdelay $0x2  }
0x33: {  	v4 =	vmov v1  }
.Ltmp1:
0x34: {  	(pc) =	sbr.rel @p0 .LBB2_5-.Ltmp1, $4  }
0x35: {  	v2 =	vmul.f32 v3, v2  }
0x36: {  	s25 =	sshra.s32 s24, $0x2  }
0x37: {  	v1 =	vld [tilespmem:s25+$0x18800];
	[tilespmem:s23+$0x1C680] =	vst v2;
	s23 =	smov.u32 s22;
	s22 =	smov.u32 s25  }
0x38: {  	s24 =	sadd.s32 $0x40, s24;
	v2 =	vld.idx.msk [tilespmem:v4+s3+$0x0], $0xffff  }
0x39: {  	v3 =	vld [tilespmem:s23+$0x1C680];
	_ =	sdelay $0x4  }
0x3a: {  	v2 =	vmul.f32 v3, v2;
	_ =	sdelay $0x1  }
0x3b: {  	[tilespmem:s23+$0x1C680] =	vst v2  }
0x3c: {  	v1 =	vld.idx.msk [tilespmem:v1+s3+$0x0], $0xffff  }
0x3d: {  	v2 =	vld [tilespmem:s22+$0x1C680];
	_ =	sdelay $0x4  }
0x3e: {  	s21 =	sadd.s32 $0x1, s21;
	v1 =	vmul.f32 v2, v1  }
0x3f: {  	p0 =	sne.s32 s21, $0x19  }
.Ltmp2:
0x40: {  	[tilespmem:s22+$0x1C680] =	vst v1;
	(pc) =	sbr.rel @p0 .LBB2_4-.Ltmp2, $4  }
0x41: {  	[spmem:s2] =	stream.indirect.scatter.add.f32 [tilespmem:s12], [sflag:$0x1], $0x1, s15, s16, $0xb8;
	[tilespmem:$0x1FE40] =	vst v63  }
0x42: {  	_ =	swait.ge [sflag:s13], $0x1F40  }
0x43: {  	[sflag:s13] =	ssyncset.done $0x0  }
0x44: {  	[sflag:s13] =	ssyncadd.s32 $0xFFFFE0C0  }
0x45: {  	s19 =	sadd.s32 $0x1, s19  }
0x46: {  	p0 =	sne.s32 s19, s11  }
.Ltmp3:
0x47: {  	[bflag:$0x0] =	sbarrier.arrive $0xFFFF;
	(pc) =	sbr.rel @p0 .LBB2_1-.Ltmp3, $4  }
0x48: {  	[hbm:s10], [sflag:s17] =	dma.local [spmem:s18], $0x310  }
0x49: {  	_ =	swait.ge [sflag:s13], $0x310  }
0x4a: {  	[sflag:s13] =	ssyncset.done $0x0  }
0x4b: {  	[sflag:s13] =	ssyncadd.s32 $0xFFFFFCF0  }
0x4c: {  	_ =	sfence.sel $0x180000  }
0x4d: {  	[bflag:$0x0] =	sbarrier.arrive $0xFFFF  }
0x4e: {  	p0 =	sne.s32 s1, $0x0;
	_ =	strace $0x90000047  }
0x4f: {  	s0 =	sadd.s32 @!p0 $0x100000, s0;
	[bflag:$0x2] =	sbarrier.arrive $0xFFFF  }
0x50: {  	[sflag:s0] =	ssyncadd.tile.s32 @!p0 $0x1;
	_ =	shalt  }
.Lfunc_end2:
_tile_overlayer_lowered:
.L_overlay_start_2:
0x51: {  	(tag) =	ssettag $0x2  }
0x52: {  	s0 =	rddreg [dreg:$0x0];
	s2 =	stileid.u32  }
0x53: {  	s1 =	rddreg [dreg:$0x1];
	p0 =	sne.s32 s2, $0x0  }
0x54: {  	s3 =	rddreg [dreg:$0x2];
	[bflag:$0x3] =	sbarrier.arrive $0xFFFF;
	s2 =	simm.s32 @!p0 $0x1C01  }
0x55: {  	[timem:s3], [sflag:s2] =	dma.local @!p0 [hbm:s0], s1  }
0x56: {  	s0 =	simm.s32 @!p0 $0x1  }
0x57: {  	_ =	swait.ge @!p0 [sflag:s0], s1  }
0x58: {  	s1 =	ssub.s32 @!p0 $0x0, s1;
	[sflag:s0] =	ssyncset.done @!p0 $0x0  }
0x59: {  	[sflag:s0] =	ssyncadd.s32 @!p0 s1  }
0x5a: {  	[bflag:$0x3] =	sbarrier.arrive $0xFFFF  }
0x5b: {  	_ =	shalt  }

</sc_bundles>
